<compile_context>
chip_gen: v7x
topology: tpu7x:2x2x1
jax: 0.10.2.dev20260603
libtpu: 0.0.44.dev20260713+nightly
codegen_flags: <defaults>
</compile_context>

<pallas_src>
import functools
import math

import jax
import jax.numpy as jnp
from jax import lax
from jax.experimental import pallas as pl
from jax.experimental.pallas import tpu as pltpu
from jax.experimental.pallas import tpu_sc as plsc

_TOPK = 128
_SEQ = 4096
_DK = 64
_INT_MIN = -2147483648


def _importance_body(q_ref, ms_ref, qp_ref):
    xt = q_ref[0]
    mean = jnp.mean(xt, axis=0)
    xc = xt - mean[None, :]
    var = jnp.sum(xc * xc, axis=0) * (1.0 / (_DK - 1))
    imp = mean + jnp.sqrt(var)

    u = lax.bitcast_convert_type(imp, jnp.int32)
    ms = jnp.where(u >= 0, u, u ^ jnp.int32(0x7FFFFFFF))
    ms_ref[0] = ms.reshape(_SEQ // 128, 128)
    eye = (lax.broadcasted_iota(jnp.int32, (_DK, _DK), 0)
           == lax.broadcasted_iota(jnp.int32, (_DK, _DK), 1)
           ).astype(jnp.float32)
    x = lax.dot_general(xt, eye, (((0,), (0,)), ((), ())),
                        preferred_element_type=jnp.float32)
    x3 = x.reshape(_SEQ // 2, 2, _DK)
    qp_ref[0] = jnp.concatenate([x3[:, 0, :], x3[:, 1, :]], axis=1)


def _run_importance(qt3):
    n = qt3.shape[0]
    return pl.pallas_call(
        _importance_body,
        grid=(n,),
        in_specs=[pl.BlockSpec((1, _DK, _SEQ), lambda i: (i, 0, 0))],
        out_specs=[
            pl.BlockSpec((1, _SEQ // 128, 128), lambda i: (i, 0, 0)),
            pl.BlockSpec((1, _SEQ // 2, 2 * _DK), lambda i: (i, 0, 0)),
        ],
        out_shape=[
            jax.ShapeDtypeStruct((n, _SEQ // 128, 128), jnp.int32),
            jax.ShapeDtypeStruct((n, _SEQ // 2, 2 * _DK), jnp.float32),
        ],
    )(qt3)


def _rank_body(ms_ref, lidx_ref, gp_ref, dest_scr):
    nr = ms_ref.shape[0]
    nc = _SEQ // 128
    m3 = ms_ref[...]
    m2d = m3.reshape(nr, _SEQ)

    cnt0 = jnp.sum((m2d >= 0).astype(jnp.int32), axis=1, keepdims=True)
    prefix0 = jnp.where(cnt0 >= _TOPK, jnp.int32(0), jnp.int32(_INT_MIN))

    def bit_body(b, prefix):
        bit = lax.shift_left(jnp.int32(1), jnp.int32(30) - b)
        cand = prefix | bit
        cnt = jnp.sum((m2d >= cand).astype(jnp.int32), axis=1, keepdims=True)
        return jnp.where(cnt >= _TOPK, cand, prefix)

    t = lax.fori_loop(0, 31, bit_body, prefix0)
    t3 = t[:, :, None]

    gt = m3 > t3
    eq = m3 == t3
    gtf = gt.astype(jnp.float32)
    eqf = eq.astype(jnp.float32)

    u128 = (lax.broadcasted_iota(jnp.int32, (128, 128), 0)
            < lax.broadcasted_iota(jnp.int32, (128, 128), 1)).astype(jnp.float32)
    u32s = (lax.broadcasted_iota(jnp.int32, (nc, nc), 0)
            < lax.broadcasted_iota(jnp.int32, (nc, nc), 1)).astype(jnp.float32)

    def ex_prefix(f3):
        lane = lax.dot_general(f3.reshape(nr * nc, 128), u128,
                               (((1,), (0,)), ((), ())),
                               preferred_element_type=jnp.float32)
        chs = jnp.sum(f3, axis=2)
        chpre = lax.dot_general(chs, u32s, (((1,), (0,)), ((), ())),
                                preferred_element_type=jnp.float32)
        return lane.reshape(nr, nc, 128) + chpre[:, :, None]

    c_gt = jnp.sum(jnp.sum(gtf, axis=2), axis=1)[:, None, None]
    r = jnp.float32(_TOPK) - c_gt
    peq = ex_prefix(eqf)
    sel = gt | (eq & (peq < r))
    psel = ex_prefix(sel.astype(jnp.float32))
    dest = jnp.where(sel, psel, jnp.float32(_TOPK)).astype(jnp.int32)
    dest_scr[...] = dest

    tio = lax.broadcasted_iota(jnp.int32, (nc, 128, _TOPK), 2)
    flatf = (lax.broadcasted_iota(jnp.int32, (nc, 128), 0) * 128
             + lax.broadcasted_iota(jnp.int32, (nc, 128), 1))

    def row_body(i, carry):
        d2 = dest_scr[pl.ds(i, 1)][0]
        e2 = (d2[:, :, None] == tio).astype(jnp.int32)
        contrib = e2 * flatf[:, :, None]
        inv = jnp.sum(jnp.sum(contrib, axis=0), axis=0)
        lidx_ref[pl.ds(i, 1), :] = inv.reshape(1, _TOPK)
        gp_ref[pl.ds(i, 1), :] = (
            (inv + jnp.int32(_SEQ) * i) >> 1).reshape(1, _TOPK)
        return carry

    lax.fori_loop(0, nr, row_body, jnp.int32(0))


def _run_rank(ms):
    n = ms.shape[0]
    return pl.pallas_call(
        _rank_body,
        out_shape=[
            jax.ShapeDtypeStruct((n, _TOPK), jnp.int32),
            jax.ShapeDtypeStruct((n, _TOPK), jnp.int32),
        ],
        scratch_shapes=[pltpu.VMEM((n, _SEQ // 128, 128), jnp.int32)],
    )(ms)


def _sc_body(gidx_hbm, q_hbm, qs_hbm, gidx_v, qs_v, sem):
    p = lax.axis_index("s") * 2 + lax.axis_index("c")

    pltpu.sync_copy(gidx_hbm.at[p], gidx_v)

    pltpu.async_copy(q_hbm.at[gidx_v], qs_v, sem).wait()
    pltpu.sync_copy(qs_v, qs_hbm.at[p])


def _run_select_gather(gidx2, q2):
    n = gidx2.shape[0]
    mesh = plsc.VectorSubcoreMesh(core_axis_name="c", subcore_axis_name="s")
    f = functools.partial(
        pl.kernel,
        mesh=mesh,
        out_type=jax.ShapeDtypeStruct((n, _TOPK, 2 * _DK), jnp.float32),
        scratch_types=[
            pltpu.VMEM((_TOPK,), jnp.int32),
            pltpu.VMEM((_TOPK, 2 * _DK), jnp.float32),
            pltpu.SemaphoreType.DMA,
        ],
    )(_sc_body)
    return f(gidx2, q2)


def _attention_body(qs_ref, kt_ref, vt_ref, idx_ref, out_ref):
    local = idx_ref[0]
    par = (local & 1)[0][:, None] == 1

    qfull = qs_ref[0]
    qb = jnp.where(par, qfull[:, _DK:], qfull[:, :_DK])

    p = (lax.broadcasted_iota(jnp.int32, (_SEQ, _TOPK), 0)
         == local).astype(jnp.bfloat16)

    def gather_cols(ref):
        full = ref[0]
        hi = full.astype(jnp.bfloat16)
        lo = (full - hi.astype(jnp.float32)).astype(jnp.bfloat16)
        return (lax.dot_general(hi, p, (((1,), (0,)), ((), ())),
                                preferred_element_type=jnp.float32)
                + lax.dot_general(lo, p, (((1,), (0,)), ((), ())),
                                  preferred_element_type=jnp.float32))

    ktg = gather_cols(kt_ref)
    vtg = gather_cols(vt_ref)
    s = lax.dot_general(qb, ktg, (((1,), (0,)), ((), ())),
                        preferred_element_type=jnp.float32)
    s = s * (1.0 / math.sqrt(_DK))
    mx = jnp.max(s, axis=-1, keepdims=True)
    e = jnp.exp(s - mx)
    w = e / jnp.sum(e, axis=-1, keepdims=True)
    att = lax.dot_general(w, vtg, (((1,), (1,)), ((), ())),
                          preferred_element_type=jnp.float32)
    a_hi = att.astype(jnp.bfloat16)
    a_lo = (att - a_hi.astype(jnp.float32)).astype(jnp.bfloat16)
    out = (lax.dot_general(p, a_hi, (((1,), (0,)), ((), ())),
                           preferred_element_type=jnp.float32)
           + lax.dot_general(p, a_lo, (((1,), (0,)), ((), ())),
                             preferred_element_type=jnp.float32))
    out_ref[0] = out.reshape(_SEQ // _DK, _DK, _DK)


def _run_attention(qs, kt3, vt3, idx3, batch):
    n = qs.shape[0]
    hpb = n // batch
    return pl.pallas_call(
        _attention_body,
        grid=(n,),
        in_specs=[
            pl.BlockSpec((1, _TOPK, 2 * _DK), lambda i: (i, 0, 0)),
            pl.BlockSpec((1, _DK, _SEQ), lambda i: (i, 0, 0)),
            pl.BlockSpec((1, _DK, _SEQ), lambda i: (i, 0, 0)),
            pl.BlockSpec((1, 1, _TOPK), lambda i: (i, 0, 0)),
        ],
        out_specs=pl.BlockSpec(
            (1, _SEQ // _DK, _DK, _DK),
            lambda i: (i // hpb, i % hpb, 0, 0)),
        out_shape=jax.ShapeDtypeStruct(
            (batch, hpb * (_SEQ // _DK), _DK, _DK), jnp.float32),
    )(qs, kt3, vt3, idx3)


def kernel(q, k, v):
    B, H, S, D = q.shape
    n = B * H
    qt3 = jnp.transpose(q, (0, 1, 3, 2)).reshape(n, D, S)
    kt3 = jnp.transpose(k, (0, 1, 3, 2)).reshape(n, D, S)
    vt3 = jnp.transpose(v, (0, 1, 3, 2)).reshape(n, D, S)

    ms, qpack = _run_importance(qt3)
    lidx, gpair = _run_rank(ms)

    qs = _run_select_gather(gpair, qpack.reshape(n * S // 2, 2 * D))

    return _run_attention(qs, kt3, vt3, lidx.reshape(n, 1, _TOPK), B)

# --- scband reference (transcript-rebuilt; emitter-appended) ---
"""Pipeline reference for scband-optimized-sampled-attention-58394375356451 (READ-ONLY COPY).

The authoritative reference and input builder live on the scoring server;
editing this copy changes nothing except your own understanding.
"""

import jax, jax.numpy as jnp
import numpy as np
import math


def setup_inputs(seed: int = 0) -> dict:
    key = jax.random.key(seed)
    kq, kk, kv = jax.random.split(key, 3)
    shape = (2, 16, 4096, 64)
    q = jax.random.normal(kq, shape, dtype=jnp.float32)
    k = jax.random.normal(kk, shape, dtype=jnp.float32)
    v = jax.random.normal(kv, shape, dtype=jnp.float32)
    return {"q": q, "k": k, "v": v}


def reference(q, k, v):
    B, num_heads, seq_len, d_k = q.shape
    sample_num = seq_len
    topk = int(2 * math.sqrt(sample_num))  # 128 for seq_len=4096
    # importance score: mean + std (torch.std uses ddof=1)
    mean = jnp.mean(q, axis=-1)
    std = jnp.std(q, axis=-1, ddof=1)
    importance_score = mean + std  # [B, H, S]
    _, sample_idx = jax.lax.top_k(importance_score, topk)  # [B, H, topk]
    idx_exp = sample_idx[..., None]  # [B, H, topk, 1]
    q_sampled = jnp.take_along_axis(q, idx_exp, axis=2)
    k_sampled = jnp.take_along_axis(k, idx_exp, axis=2)
    v_sampled = jnp.take_along_axis(v, idx_exp, axis=2)
    sqrt_dk = math.sqrt(d_k)
    attention_scores = jnp.matmul(q_sampled, jnp.swapaxes(k_sampled, -2, -1)) / sqrt_dk
    attention_weights = jax.nn.softmax(attention_scores, axis=-1)
    sampled_attention = jnp.matmul(attention_weights, v_sampled)  # [B, H, topk, d_k]
    # scatter sampled attention back into full-length buffer
    # (torch uses empty_like + scatter_, which leaves untouched rows
    #  uninitialized; we use zeros for determinism)
    b_idx = jnp.arange(B)[:, None, None]
    h_idx = jnp.arange(num_heads)[None, :, None]
    qk_result_expanded = jnp.zeros_like(v).at[b_idx, h_idx, sample_idx, :].set(sampled_attention)
    H = W = int(math.sqrt(seq_len))
    sampled_result = qk_result_expanded.reshape(B, -1, H, W)
    return sampled_result

if __name__ == "__main__":
    import jax
    _d = setup_inputs()
    print(jax.jit(kernel)(*tuple(_d.values())))

</pallas_src>

<mosaic_0001>
#map = affine_map<(d0, d1) -> (0, 0)>
#map1 = affine_map<(d0, d1) -> (0, 0, 0)>
module attributes {stable_mosaic.version = 14 : i64} {
  func.func @_sc_body(%arg0: i32, %arg1: i32, %arg2: memref<32x128xi32, #tpu.memory_space<hbm>>, %arg3: memref<65536x128xf32, #tpu.memory_space<hbm>>, %arg4: memref<32x128x128xf32, #tpu.memory_space<hbm>>, %arg5: memref<128xi32, #tpu.memory_space<vmem>>, %arg6: memref<128x128xf32, #tpu.memory_space<vmem>>, %arg7: memref<!tpu.dma_semaphore, #tpu.memory_space<semaphore_mem>>) attributes {dimension_semantics = [#tpu.dimension_semantics<core_parallel>, #tpu.dimension_semantics<subcore_parallel>], iteration_bounds = array<i64: 2, 16>, scalar_prefetch = 0 : i64, scratch_operands = 3 : i64, tpu.core_type = #tpu.core_type<sc_vector_subcore>, window_params = [{transform_indices = #map}, {transform_indices = #map}, {transform_indices = #map1}]} {
    %mul3A = arith.constant 2 : i32
    %mul3A_0 = arith.muli %arg1, %mul3A : i32
    %add3A = arith.addi %mul3A_0, %arg0 : i32
    "tpu.region"() ({
      %run_scoped3A = tpu.sem_alloc : memref<!tpu.dma_semaphore, #tpu.memory_space<semaphore_mem>>
      %dma_start3A_5 = arith.constant 0 : i32
      %dma_start3A_6 = tpu.memref_slice %arg2[%add3A, %dma_start3A_5] : memref<32x128xi32, #tpu.memory_space<hbm>> -> memref<1x128xi32, #tpu.memory_space<hbm>>
      %dma_start3A_7 = tpu.memref_squeeze %dma_start3A_6 : memref<1x128xi32, #tpu.memory_space<hbm>> -> memref<128xi32, #tpu.memory_space<hbm>>
      %dma_start3A_8 = arith.constant 0 : i32
      %dma_start3A_9 = tpu.memref_slice %arg2[%add3A, %dma_start3A_8] : memref<32x128xi32, #tpu.memory_space<hbm>> -> memref<1x128xi32, #tpu.memory_space<hbm>>
      %dma_start3A_10 = tpu.memref_squeeze %dma_start3A_9 : memref<1x128xi32, #tpu.memory_space<hbm>> -> memref<128xi32, #tpu.memory_space<hbm>>
      tpu.enqueue_dma source(%dma_start3A_10 : memref<128xi32, #tpu.memory_space<hbm>>) target(%arg5 : memref<128xi32, #tpu.memory_space<vmem>>) target_semaphore(%run_scoped3A : memref<!tpu.dma_semaphore, #tpu.memory_space<semaphore_mem>>)
      %dma_wait3A_11 = arith.constant 0 : i32
      %dma_wait3A_12 = tpu.memref_slice %arg2[%add3A, %dma_wait3A_11] : memref<32x128xi32, #tpu.memory_space<hbm>> -> memref<1x128xi32, #tpu.memory_space<hbm>>
      %dma_wait3A_13 = tpu.memref_squeeze %dma_wait3A_12 : memref<1x128xi32, #tpu.memory_space<hbm>> -> memref<128xi32, #tpu.memory_space<hbm>>
      %dma_wait3A_14 = arith.constant 0 : i32
      %dma_wait3A_15 = tpu.memref_slice %arg2[%add3A, %dma_wait3A_14] : memref<32x128xi32, #tpu.memory_space<hbm>> -> memref<1x128xi32, #tpu.memory_space<hbm>>
      %dma_wait3A_16 = tpu.memref_squeeze %dma_wait3A_15 : memref<1x128xi32, #tpu.memory_space<hbm>> -> memref<128xi32, #tpu.memory_space<hbm>>
      tpu.wait_dma2 semaphore(%run_scoped3A : memref<!tpu.dma_semaphore, #tpu.memory_space<semaphore_mem>>) src(%dma_wait3A_16 : memref<128xi32, #tpu.memory_space<hbm>>) dst(%arg5 : memref<128xi32, #tpu.memory_space<vmem>>)
      tpu.yield
    }) : () -> ()
    %dma_start3A = arith.constant 0 : i32
    %dma_start3A_1 = arith.constant 0 : i32
    %dma_start3A_2 = tpu.memref_slice %arg3[%dma_start3A, %dma_start3A_1] : memref<65536x128xf32, #tpu.memory_space<hbm>> -> memref<65536x128xf32, #tpu.memory_space<hbm>>
    tpu.enqueue_indirect_dma source(%dma_start3A_2 : memref<65536x128xf32, #tpu.memory_space<hbm>>) target(%arg6 : memref<128x128xf32, #tpu.memory_space<vmem>>) offsets(%arg5 : memref<128xi32, #tpu.memory_space<vmem>>) semaphore(%arg7 : memref<!tpu.dma_semaphore, #tpu.memory_space<semaphore_mem>>)
    %dma_wait3A = arith.constant 0 : i32
    %dma_wait3A_3 = arith.constant 0 : i32
    %dma_wait3A_4 = tpu.memref_slice %arg3[%dma_wait3A, %dma_wait3A_3] : memref<65536x128xf32, #tpu.memory_space<hbm>> -> memref<65536x128xf32, #tpu.memory_space<hbm>>
    tpu.wait_indirect_dma semaphore(%arg7 : memref<!tpu.dma_semaphore, #tpu.memory_space<semaphore_mem>>) src(%dma_wait3A_4 : memref<65536x128xf32, #tpu.memory_space<hbm>>) dst(%arg6 : memref<128x128xf32, #tpu.memory_space<vmem>>)
    "tpu.region"() ({
      %run_scoped3A = tpu.sem_alloc : memref<!tpu.dma_semaphore, #tpu.memory_space<semaphore_mem>>
      %dma_start3A_5 = arith.constant 0 : i32
      %dma_start3A_6 = arith.constant 0 : i32
      %dma_start3A_7 = tpu.memref_slice %arg4[%add3A, %dma_start3A_5, %dma_start3A_6] : memref<32x128x128xf32, #tpu.memory_space<hbm>> -> memref<1x128x128xf32, #tpu.memory_space<hbm>>
      %dma_start3A_8 = tpu.memref_squeeze %dma_start3A_7 : memref<1x128x128xf32, #tpu.memory_space<hbm>> -> memref<128x128xf32, #tpu.memory_space<hbm>>
      %dma_start3A_9 = arith.constant 0 : i32
      %dma_start3A_10 = arith.constant 0 : i32
      %dma_start3A_11 = tpu.memref_slice %arg4[%add3A, %dma_start3A_9, %dma_start3A_10] : memref<32x128x128xf32, #tpu.memory_space<hbm>> -> memref<1x128x128xf32, #tpu.memory_space<hbm>>
      %dma_start3A_12 = tpu.memref_squeeze %dma_start3A_11 : memref<1x128x128xf32, #tpu.memory_space<hbm>> -> memref<128x128xf32, #tpu.memory_space<hbm>>
      tpu.enqueue_dma source(%arg6 : memref<128x128xf32, #tpu.memory_space<vmem>>) target(%dma_start3A_12 : memref<128x128xf32, #tpu.memory_space<hbm>>) target_semaphore(%run_scoped3A : memref<!tpu.dma_semaphore, #tpu.memory_space<semaphore_mem>>)
      %dma_wait3A_13 = arith.constant 0 : i32
      %dma_wait3A_14 = arith.constant 0 : i32
      %dma_wait3A_15 = tpu.memref_slice %arg4[%add3A, %dma_wait3A_13, %dma_wait3A_14] : memref<32x128x128xf32, #tpu.memory_space<hbm>> -> memref<1x128x128xf32, #tpu.memory_space<hbm>>
      %dma_wait3A_16 = tpu.memref_squeeze %dma_wait3A_15 : memref<1x128x128xf32, #tpu.memory_space<hbm>> -> memref<128x128xf32, #tpu.memory_space<hbm>>
      %dma_wait3A_17 = arith.constant 0 : i32
      %dma_wait3A_18 = arith.constant 0 : i32
      %dma_wait3A_19 = tpu.memref_slice %arg4[%add3A, %dma_wait3A_17, %dma_wait3A_18] : memref<32x128x128xf32, #tpu.memory_space<hbm>> -> memref<1x128x128xf32, #tpu.memory_space<hbm>>
      %dma_wait3A_20 = tpu.memref_squeeze %dma_wait3A_19 : memref<1x128x128xf32, #tpu.memory_space<hbm>> -> memref<128x128xf32, #tpu.memory_space<hbm>>
      tpu.wait_dma2 semaphore(%run_scoped3A : memref<!tpu.dma_semaphore, #tpu.memory_space<semaphore_mem>>) src(%arg6 : memref<128x128xf32, #tpu.memory_space<vmem>>) dst(%dma_wait3A_20 : memref<128x128xf32, #tpu.memory_space<hbm>>)
      tpu.yield
    }) : () -> ()
    return
  }
}

module attributes {stable_mosaic.version = 14 : i64} {
  func.func @_importance_body(%arg0: i32, %arg1: memref<1x64x4096xf32, #tpu.memory_space<vmem>>, %arg2: memref<1x32x128xi32, #tpu.memory_space<vmem>>, %arg3: memref<1x2048x128xf32, #tpu.memory_space<vmem>>) attributes {dimension_semantics = [#tpu.dimension_semantics<arbitrary>], iteration_bounds = array<i64: 32>, scalar_prefetch = 0 : i64, scratch_operands = 0 : i64, tpu.core_type = #tpu.core_type<tc>, window_params = [{transform_indices = @transform_0, window_bounds = array<i64: 1, 64, 4096>}, {transform_indices = @transform_1, window_bounds = array<i64: 1, 32, 128>}, {transform_indices = @transform_2, window_bounds = array<i64: 1, 2048, 128>}]} {
    %get3A = arith.constant 0 : index
    %get3A_0 = arith.constant 0 : index
    %get3A_1 = arith.constant 0 : index
    %get3A_2 = vector.load %arg1[%get3A, %get3A_0, %get3A_1] : memref<1x64x4096xf32, #tpu.memory_space<vmem>>, vector<1x64x4096xf32>
    %get3A_3 = vector.shape_cast %get3A_2 : vector<1x64x4096xf32> to vector<64x4096xf32>
    %reduce_sum3A = arith.constant dense<0.000000e+00> : vector<4096xf32>
    %reduce_sum3A_4 = vector.multi_reduction <add>, %get3A_3, %reduce_sum3A [0] : vector<64x4096xf32> to vector<4096xf32>
    %div3A = arith.constant 6.400000e+01 : f32
    %div3A_5 = vector.broadcast %div3A : f32 to vector<4096xf32>
    %div3A_6 = arith.divf %reduce_sum3A_4, %div3A_5 : vector<4096xf32>
    %broadcast_in_dim3A = vector.shape_cast %div3A_6 : vector<4096xf32> to vector<1x4096xf32>
    %sub3A = vector.broadcast %broadcast_in_dim3A : vector<1x4096xf32> to vector<64x4096xf32>
    %sub3A_7 = arith.subf %get3A_3, %sub3A : vector<64x4096xf32>
    %mul3A = arith.mulf %sub3A_7, %sub3A_7 : vector<64x4096xf32>
    %reduce_sum3A_8 = arith.constant dense<0.000000e+00> : vector<4096xf32>
    %reduce_sum3A_9 = vector.multi_reduction <add>, %mul3A, %reduce_sum3A_8 [0] : vector<64x4096xf32> to vector<4096xf32>
    %mul3A_10 = arith.constant 0.0158730168 : f32
    %mul3A_11 = vector.broadcast %mul3A_10 : f32 to vector<4096xf32>
    %mul3A_12 = arith.mulf %reduce_sum3A_9, %mul3A_11 : vector<4096xf32>
    %sqrt3A = math.sqrt %mul3A_12 : vector<4096xf32>
    %add3A = arith.addf %div3A_6, %sqrt3A : vector<4096xf32>
    %bitcast_convert_type3A = tpu.bitcast %add3A : vector<4096xf32> -> vector<4096xi32>
    %ge3A = arith.constant 0 : i32
    %ge3A_13 = vector.broadcast %ge3A : i32 to vector<4096xi32>
    %ge3A_14 = arith.cmpi sge, %bitcast_convert_type3A, %ge3A_13 : vector<4096xi32>
    %xor3A = arith.constant 2147483647 : i32
    %xor3A_15 = vector.broadcast %xor3A : i32 to vector<4096xi32>
    %xor3A_16 = arith.xori %bitcast_convert_type3A, %xor3A_15 : vector<4096xi32>
    %select_n3A = arith.select %ge3A_14, %bitcast_convert_type3A, %xor3A_16 : vector<4096xi1>, vector<4096xi32>
    %reshape3A = vector.shape_cast %select_n3A : vector<4096xi32> to vector<32x128xi32>
    %swap3A = arith.constant 0 : index
    %swap3A_17 = arith.constant 0 : index
    %swap3A_18 = arith.constant 0 : index
    %swap3A_19 = vector.load %arg2[%swap3A, %swap3A_17, %swap3A_18] : memref<1x32x128xi32, #tpu.memory_space<vmem>>, vector<1x32x128xi32>
    %swap3A_20 = vector.shape_cast %swap3A_19 : vector<1x32x128xi32> to vector<32x128xi32>
    %swap3A_21 = vector.shape_cast %reshape3A : vector<32x128xi32> to vector<1x32x128xi32>
    tpu.vector_store %arg2[%swap3A, %swap3A_17, %swap3A_18], %swap3A_21 {strides = array<i32>} : memref<1x32x128xi32, #tpu.memory_space<vmem>>, vector<1x32x128xi32>,
    %iota3A = tpu.iota {dimensions = array<i32: 0>} : vector<64x64xi32>
    %iota3A_22 = tpu.iota {dimensions = array<i32: 1>} : vector<64x64xi32>
    %eq3A = arith.cmpi eq, %iota3A, %iota3A_22 : vector<64x64xi32>
    %convert_element_type3A = arith.extui %eq3A : vector<64x64xi1> to vector<64x64xi32>
    %convert_element_type3A_23 = arith.sitofp %convert_element_type3A : vector<64x64xi32> to vector<64x64xf32>
    %dot_general3A = arith.constant dense<0.000000e+00> : vector<4096x64xf32>
    %dot_general3A_24 = tpu.matmul %get3A_3, %convert_element_type3A_23, %dot_general3A {dimension_numbers = #tpu.dot_dimension_numbers<[0], [0], [1], [1], [0, 1, 1, 1], [], []>, transpose_lhs_hint = false} : vector<64x4096xf32>, vector<64x64xf32>, vector<4096x64xf32> -> vector<4096x64xf32>
    %reshape3A_25 = vector.shape_cast %dot_general3A_24 : vector<4096x64xf32> to vector<2048x2x64xf32>
    %slice3A = vector.extract_strided_slice %reshape3A_25 {offsets = [0, 0, 0], sizes = [2048, 1, 64], strides = [1, 1, 1]} : vector<2048x2x64xf32> to vector<2048x1x64xf32>
    %squeeze3A = vector.shape_cast %slice3A : vector<2048x1x64xf32> to vector<2048x64xf32>
    %slice3A_26 = vector.extract_strided_slice %reshape3A_25 {offsets = [0, 1, 0], sizes = [2048, 1, 64], strides = [1, 1, 1]} : vector<2048x2x64xf32> to vector<2048x1x64xf32>
    %squeeze3A_27 = vector.shape_cast %slice3A_26 : vector<2048x1x64xf32> to vector<2048x64xf32>
    %concatenate3A = tpu.concatenate %squeeze3A, %squeeze3A_27 in 1 : vector<2048x64xf32>, vector<2048x64xf32> -> vector<2048x128xf32>
    %swap3A_28 = arith.constant 0 : index
    %swap3A_29 = arith.constant 0 : index
    %swap3A_30 = arith.constant 0 : index
    %swap3A_31 = vector.load %arg3[%swap3A_28, %swap3A_29, %swap3A_30] : memref<1x2048x128xf32, #tpu.memory_space<vmem>>, vector<1x2048x128xf32>
    %swap3A_32 = vector.shape_cast %swap3A_31 : vector<1x2048x128xf32> to vector<2048x128xf32>
    %swap3A_33 = vector.shape_cast %concatenate3A : vector<2048x128xf32> to vector<1x2048x128xf32>
    tpu.vector_store %arg3[%swap3A_28, %swap3A_29, %swap3A_30], %swap3A_33 {strides = array<i32>} : memref<1x2048x128xf32, #tpu.memory_space<vmem>>, vector<1x2048x128xf32>,
    return
  }
  func.func @transform_0(%arg0: i32) -> (i32, i32, i32) {
    %c0_i32 = arith.constant 0 : i32
    %c0_i32_0 = arith.constant 0 : i32
    %c0_i32_1 = arith.constant 0 : i32
    return %arg0, %c0_i32, %c0_i32_0 : i32, i32, i32
  }
  func.func @transform_1(%arg0: i32) -> (i32, i32, i32) {
    %c0_i32 = arith.constant 0 : i32
    %c0_i32_0 = arith.constant 0 : i32
    %c0_i32_1 = arith.constant 0 : i32
    return %arg0, %c0_i32, %c0_i32_0 : i32, i32, i32
  }
  func.func @transform_2(%arg0: i32) -> (i32, i32, i32) {
    %c0_i32 = arith.constant 0 : i32
    %c0_i32_0 = arith.constant 0 : i32
    %c0_i32_1 = arith.constant 0 : i32
    return %arg0, %c0_i32, %c0_i32_0 : i32, i32, i32
  }
}

module attributes {stable_mosaic.version = 14 : i64} {
  func.func @_attention_body(%arg0: i32, %arg1: memref<1x128x128xf32, #tpu.memory_space<vmem>>, %arg2: memref<1x64x4096xf32, #tpu.memory_space<vmem>>, %arg3: memref<1x64x4096xf32, #tpu.memory_space<vmem>>, %arg4: memref<1x1x128xi32, #tpu.memory_space<vmem>>, %arg5: memref<1x64x64x64xf32, #tpu.memory_space<vmem>>) attributes {dimension_semantics = [#tpu.dimension_semantics<arbitrary>], iteration_bounds = array<i64: 32>, scalar_prefetch = 0 : i64, scratch_operands = 0 : i64, tpu.core_type = #tpu.core_type<tc>, window_params = [{transform_indices = @transform_0, window_bounds = array<i64: 1, 128, 128>}, {transform_indices = @transform_1, window_bounds = array<i64: 1, 64, 4096>}, {transform_indices = @transform_2, window_bounds = array<i64: 1, 64, 4096>}, {transform_indices = @transform_3, window_bounds = array<i64: 1, 1, 128>}, {transform_indices = @transform_4, window_bounds = array<i64: 1, 64, 64, 64>}]} {
    %get3A = arith.constant 0 : index
    %get3A_0 = arith.constant 0 : index
    %get3A_1 = arith.constant 0 : index
    %get3A_2 = vector.load %arg4[%get3A, %get3A_0, %get3A_1] : memref<1x1x128xi32, #tpu.memory_space<vmem>>, vector<1x1x128xi32>
    %get3A_3 = vector.shape_cast %get3A_2 : vector<1x1x128xi32> to vector<1x128xi32>
    %and3A = arith.constant 1 : i32
    %and3A_4 = vector.broadcast %and3A : i32 to vector<1x128xi32>
    %and3A_5 = arith.andi %get3A_3, %and3A_4 : vector<1x128xi32>
    %squeeze3A = vector.shape_cast %and3A_5 : vector<1x128xi32> to vector<128xi32>
    %broadcast_in_dim3A = vector.shape_cast %squeeze3A : vector<128xi32> to vector<128x1xi32>
    %eq3A = arith.constant 1 : i32
    %eq3A_6 = vector.broadcast %eq3A : i32 to vector<128x1xi32>
    %eq3A_7 = arith.cmpi eq, %broadcast_in_dim3A, %eq3A_6 : vector<128x1xi32>
    %get3A_8 = arith.constant 0 : index
    %get3A_9 = arith.constant 0 : index
    %get3A_10 = arith.constant 0 : index
    %get3A_11 = vector.load %arg1[%get3A_8, %get3A_9, %get3A_10] : memref<1x128x128xf32, #tpu.memory_space<vmem>>, vector<1x128x128xf32>
    %get3A_12 = vector.shape_cast %get3A_11 : vector<1x128x128xf32> to vector<128x128xf32>
    %slice3A = vector.extract_strided_slice %get3A_12 {offsets = [0, 64], sizes = [128, 64], strides = [1, 1]} : vector<128x128xf32> to vector<128x64xf32>
    %slice3A_13 = vector.extract_strided_slice %get3A_12 {offsets = [0, 0], sizes = [128, 64], strides = [1, 1]} : vector<128x128xf32> to vector<128x64xf32>
    %broadcast_in_dim3A_14 = vector.shape_cast %eq3A_7 : vector<128x1xi1> to vector<128x1xi1>
    %broadcast_in_dim3A_15 = vector.broadcast %broadcast_in_dim3A_14 : vector<128x1xi1> to vector<128x64xi1>
    %select_n3A = arith.select %broadcast_in_dim3A_15, %slice3A, %slice3A_13 : vector<128x64xi1>, vector<128x64xf32>
    %iota3A = tpu.iota {dimensions = array<i32: 0>} : vector<4096x128xi32>
    %eq3A_16 = vector.broadcast %get3A_3 : vector<1x128xi32> to vector<4096x128xi32>
    %eq3A_17 = arith.cmpi eq, %iota3A, %eq3A_16 : vector<4096x128xi32>
    %convert_element_type3A = arith.extui %eq3A_17 : vector<4096x128xi1> to vector<4096x128xi32>
    %convert_element_type3A_18 = arith.sitofp %convert_element_type3A : vector<4096x128xi32> to vector<4096x128xf32>
    %convert_element_type3A_19 = arith.truncf %convert_element_type3A_18 : vector<4096x128xf32> to vector<4096x128xbf16>
    %get3A_20 = arith.constant 0 : index
    %get3A_21 = arith.constant 0 : index
    %get3A_22 = arith.constant 0 : index
    %get3A_23 = vector.load %arg2[%get3A_20, %get3A_21, %get3A_22] : memref<1x64x4096xf32, #tpu.memory_space<vmem>>, vector<1x64x4096xf32>
    %get3A_24 = vector.shape_cast %get3A_23 : vector<1x64x4096xf32> to vector<64x4096xf32>
    %convert_element_type3A_25 = arith.truncf %get3A_24 : vector<64x4096xf32> to vector<64x4096xbf16>
    %convert_element_type3A_26 = arith.extf %convert_element_type3A_25 : vector<64x4096xbf16> to vector<64x4096xf32>
    %sub3A = arith.subf %get3A_24, %convert_element_type3A_26 : vector<64x4096xf32>
    %convert_element_type3A_27 = arith.truncf %sub3A : vector<64x4096xf32> to vector<64x4096xbf16>
    %dot_general3A = arith.constant dense<0.000000e+00> : vector<64x128xf32>
    %dot_general3A_28 = tpu.matmul %convert_element_type3A_25, %convert_element_type3A_19, %dot_general3A {dimension_numbers = #tpu.dot_dimension_numbers<[1], [0], [0], [1], [0, 0, 1, 1], [], []>, transpose_lhs_hint = false} : vector<64x4096xbf16>, vector<4096x128xbf16>, vector<64x128xf32> -> vector<64x128xf32>
    %dot_general3A_29 = arith.constant dense<0.000000e+00> : vector<64x128xf32>
    %dot_general3A_30 = tpu.matmul %convert_element_type3A_27, %convert_element_type3A_19, %dot_general3A_29 {dimension_numbers = #tpu.dot_dimension_numbers<[1], [0], [0], [1], [0, 0, 1, 1], [], []>, transpose_lhs_hint = false} : vector<64x4096xbf16>, vector<4096x128xbf16>, vector<64x128xf32> -> vector<64x128xf32>
    %add3A = arith.addf %dot_general3A_28, %dot_general3A_30 : vector<64x128xf32>
    %get3A_31 = arith.constant 0 : index
    %get3A_32 = arith.constant 0 : index
    %get3A_33 = arith.constant 0 : index
    %get3A_34 = vector.load %arg3[%get3A_31, %get3A_32, %get3A_33] : memref<1x64x4096xf32, #tpu.memory_space<vmem>>, vector<1x64x4096xf32>
    %get3A_35 = vector.shape_cast %get3A_34 : vector<1x64x4096xf32> to vector<64x4096xf32>
    %convert_element_type3A_36 = arith.truncf %get3A_35 : vector<64x4096xf32> to vector<64x4096xbf16>
    %convert_element_type3A_37 = arith.extf %convert_element_type3A_36 : vector<64x4096xbf16> to vector<64x4096xf32>
    %sub3A_38 = arith.subf %get3A_35, %convert_element_type3A_37 : vector<64x4096xf32>
    %convert_element_type3A_39 = arith.truncf %sub3A_38 : vector<64x4096xf32> to vector<64x4096xbf16>
    %dot_general3A_40 = arith.constant dense<0.000000e+00> : vector<64x128xf32>
    %dot_general3A_41 = tpu.matmul %convert_element_type3A_36, %convert_element_type3A_19, %dot_general3A_40 {dimension_numbers = #tpu.dot_dimension_numbers<[1], [0], [0], [1], [0, 0, 1, 1], [], []>, transpose_lhs_hint = false} : vector<64x4096xbf16>, vector<4096x128xbf16>, vector<64x128xf32> -> vector<64x128xf32>
    %dot_general3A_42 = arith.constant dense<0.000000e+00> : vector<64x128xf32>
    %dot_general3A_43 = tpu.matmul %convert_element_type3A_39, %convert_element_type3A_19, %dot_general3A_42 {dimension_numbers = #tpu.dot_dimension_numbers<[1], [0], [0], [1], [0, 0, 1, 1], [], []>, transpose_lhs_hint = false} : vector<64x4096xbf16>, vector<4096x128xbf16>, vector<64x128xf32> -> vector<64x128xf32>
    %add3A_44 = arith.addf %dot_general3A_41, %dot_general3A_43 : vector<64x128xf32>
    %dot_general3A_45 = arith.constant dense<0.000000e+00> : vector<128x128xf32>
    %dot_general3A_46 = tpu.matmul %select_n3A, %add3A, %dot_general3A_45 {dimension_numbers = #tpu.dot_dimension_numbers<[1], [0], [0], [1], [0, 0, 1, 1], [], []>, transpose_lhs_hint = false} : vector<128x64xf32>, vector<64x128xf32>, vector<128x128xf32> -> vector<128x128xf32>
    %mul3A = arith.constant 1.250000e-01 : f32
    %mul3A_47 = vector.broadcast %mul3A : f32 to vector<128x128xf32>
    %mul3A_48 = arith.mulf %dot_general3A_46, %mul3A_47 : vector<128x128xf32>
    %reduce_max3A = arith.constant dense<0xFF800000> : vector<128xf32>
    %reduce_max3A_49 = vector.multi_reduction <maximumf>, %mul3A_48, %reduce_max3A [1] : vector<128x128xf32> to vector<128xf32>
    %broadcast_in_dim3A_50 = vector.shape_cast %reduce_max3A_49 : vector<128xf32> to vector<128x1xf32>
    %sub3A_51 = vector.broadcast %broadcast_in_dim3A_50 : vector<128x1xf32> to vector<128x128xf32>
    %sub3A_52 = arith.subf %mul3A_48, %sub3A_51 : vector<128x128xf32>
    %exp3A = math.exp %sub3A_52 : vector<128x128xf32>
    %reduce_sum3A = arith.constant dense<0.000000e+00> : vector<128xf32>
    %reduce_sum3A_53 = vector.multi_reduction <add>, %exp3A, %reduce_sum3A [1] : vector<128x128xf32> to vector<128xf32>
    %broadcast_in_dim3A_54 = vector.shape_cast %reduce_sum3A_53 : vector<128xf32> to vector<128x1xf32>
    %div3A = vector.broadcast %broadcast_in_dim3A_54 : vector<128x1xf32> to vector<128x128xf32>
    %div3A_55 = arith.divf %exp3A, %div3A : vector<128x128xf32>
    %dot_general3A_56 = arith.constant dense<0.000000e+00> : vector<128x64xf32>
    %dot_general3A_57 = tpu.matmul %div3A_55, %add3A_44, %dot_general3A_56 {dimension_numbers = #tpu.dot_dimension_numbers<[1], [1], [0], [0], [0, 0, 1, 0], [], []>, transpose_lhs_hint = false} : vector<128x128xf32>, vector<64x128xf32>, vector<128x64xf32> -> vector<128x64xf32>
    %convert_element_type3A_58 = arith.truncf %dot_general3A_57 : vector<128x64xf32> to vector<128x64xbf16>
    %convert_element_type3A_59 = arith.extf %convert_element_type3A_58 : vector<128x64xbf16> to vector<128x64xf32>
    %sub3A_60 = arith.subf %dot_general3A_57, %convert_element_type3A_59 : vector<128x64xf32>
    %convert_element_type3A_61 = arith.truncf %sub3A_60 : vector<128x64xf32> to vector<128x64xbf16>
    %dot_general3A_62 = arith.constant dense<0.000000e+00> : vector<4096x64xf32>
    %dot_general3A_63 = tpu.matmul %convert_element_type3A_19, %convert_element_type3A_58, %dot_general3A_62 {dimension_numbers = #tpu.dot_dimension_numbers<[1], [0], [0], [1], [0, 0, 1, 1], [], []>, transpose_lhs_hint = false} : vector<4096x128xbf16>, vector<128x64xbf16>, vector<4096x64xf32> -> vector<4096x64xf32>
    %dot_general3A_64 = arith.constant dense<0.000000e+00> : vector<4096x64xf32>
    %dot_general3A_65 = tpu.matmul %convert_element_type3A_19, %convert_element_type3A_61, %dot_general3A_64 {dimension_numbers = #tpu.dot_dimension_numbers<[1], [0], [0], [1], [0, 0, 1, 1], [], []>, transpose_lhs_hint = false} : vector<4096x128xbf16>, vector<128x64xbf16>, vector<4096x64xf32> -> vector<4096x64xf32>
    %add3A_66 = arith.addf %dot_general3A_63, %dot_general3A_65 : vector<4096x64xf32>
    %reshape3A = vector.shape_cast %add3A_66 : vector<4096x64xf32> to vector<64x64x64xf32>
    %swap3A = arith.constant 0 : index
    %swap3A_67 = arith.constant 0 : index
    %swap3A_68 = arith.constant 0 : index
    %swap3A_69 = arith.constant 0 : index
    %swap3A_70 = vector.load %arg5[%swap3A, %swap3A_67, %swap3A_68, %swap3A_69] : memref<1x64x64x64xf32, #tpu.memory_space<vmem>>, vector<1x64x64x64xf32>
    %swap3A_71 = vector.shape_cast %swap3A_70 : vector<1x64x64x64xf32> to vector<64x64x64xf32>
    %swap3A_72 = vector.shape_cast %reshape3A : vector<64x64x64xf32> to vector<1x64x64x64xf32>
    tpu.vector_store %arg5[%swap3A, %swap3A_67, %swap3A_68, %swap3A_69], %swap3A_72 {strides = array<i32>} : memref<1x64x64x64xf32, #tpu.memory_space<vmem>>, vector<1x64x64x64xf32>,
    return
  }
  func.func @transform_0(%arg0: i32) -> (i32, i32, i32) {
    %c0_i32 = arith.constant 0 : i32
    %c0_i32_0 = arith.constant 0 : i32
    %c0_i32_1 = arith.constant 0 : i32
    return %arg0, %c0_i32, %c0_i32_0 : i32, i32, i32
  }
  func.func @transform_1(%arg0: i32) -> (i32, i32, i32) {
    %c0_i32 = arith.constant 0 : i32
    %c0_i32_0 = arith.constant 0 : i32
    %c0_i32_1 = arith.constant 0 : i32
    return %arg0, %c0_i32, %c0_i32_0 : i32, i32, i32
  }
  func.func @transform_2(%arg0: i32) -> (i32, i32, i32) {
    %c0_i32 = arith.constant 0 : i32
    %c0_i32_0 = arith.constant 0 : i32
    %c0_i32_1 = arith.constant 0 : i32
    return %arg0, %c0_i32, %c0_i32_0 : i32, i32, i32
  }
  func.func @transform_3(%arg0: i32) -> (i32, i32, i32) {
    %c0_i32 = arith.constant 0 : i32
    %c0_i32_0 = arith.constant 0 : i32
    %c0_i32_1 = arith.constant 0 : i32
    return %arg0, %c0_i32, %c0_i32_0 : i32, i32, i32
  }
  func.func @transform_4(%arg0: i32) -> (i32, i32, i32, i32) {
    %jit3A = arith.constant 16 : i32
    %div3A = arith.divsi %arg0, %jit3A : i32
    %sign3A = arith.constant 0 : i32
    %sign3A_0 = arith.cmpi sgt, %arg0, %sign3A : i32
    %sign3A_1 = arith.extui %sign3A_0 : i1 to i32
    %sign3A_2 = arith.constant 0 : i32
    %sign3A_3 = arith.cmpi slt, %arg0, %sign3A_2 : i32
    %sign3A_4 = arith.extui %sign3A_3 : i1 to i32
    %sign3A_5 = arith.subi %sign3A_1, %sign3A_4 : i32
    %sign3A_6 = arith.constant 0 : i32
    %sign3A_7 = arith.cmpi sgt, %jit3A, %sign3A_6 : i32
    %sign3A_8 = arith.extui %sign3A_7 : i1 to i32
    %sign3A_9 = arith.constant 0 : i32
    %sign3A_10 = arith.cmpi slt, %jit3A, %sign3A_9 : i32
    %sign3A_11 = arith.extui %sign3A_10 : i1 to i32
    %sign3A_12 = arith.subi %sign3A_8, %sign3A_11 : i32
    %ne3A = arith.cmpi ne, %sign3A_5, %sign3A_12 : i32
    %rem3A = arith.remsi %arg0, %jit3A : i32
    %ne3A_13 = arith.constant 0 : i32
    %ne3A_14 = arith.cmpi ne, %rem3A, %ne3A_13 : i32
    %and3A = arith.andi %ne3A, %ne3A_14 : i1
    %sub3A = arith.constant 1 : i32
    %sub3A_15 = arith.subi %div3A, %sub3A : i32
    %select_n3A = arith.select %and3A, %sub3A_15, %div3A : i32
    %jit3A_16 = arith.constant 16 : i32
    %eq3A = arith.constant 0 : i32
    %eq3A_17 = arith.cmpi eq, %jit3A_16, %eq3A : i32
    %jit3A_18 = arith.constant 1 : i32
    %select_n3A_19 = arith.select %eq3A_17, %jit3A_18, %jit3A_16 : i32
    %rem3A_20 = arith.remsi %arg0, %select_n3A_19 : i32
    %ne3A_21 = arith.constant 0 : i32
    %ne3A_22 = arith.cmpi ne, %rem3A_20, %ne3A_21 : i32
    %lt3A = arith.constant 0 : i32
    %lt3A_23 = arith.cmpi slt, %rem3A_20, %lt3A : i32
    %lt3A_24 = arith.constant 0 : i32
    %lt3A_25 = arith.cmpi slt, %select_n3A_19, %lt3A_24 : i32
    %ne3A_26 = arith.xori %lt3A_23, %lt3A_25 : i1
    %and3A_27 = arith.andi %ne3A_26, %ne3A_22 : i1
    %add3A = arith.addi %rem3A_20, %select_n3A_19 : i32
    %select_n3A_28 = arith.select %and3A_27, %add3A, %rem3A_20 : i32
    %c0_i32 = arith.constant 0 : i32
    %c0_i32_29 = arith.constant 0 : i32
    %c0_i32_30 = arith.constant 0 : i32
    return %select_n3A, %select_n3A_28, %c0_i32, %c0_i32_29 : i32, i32, i32, i32
  }
}

module attributes {stable_mosaic.version = 14 : i64} {
  func.func @_rank_body(%arg0: memref<32x32x128xi32, #tpu.memory_space<vmem>>, %arg1: memref<32x128xi32, #tpu.memory_space<vmem>>, %arg2: memref<32x128xi32, #tpu.memory_space<vmem>>, %arg3: memref<32x32x128xi32, #tpu.memory_space<vmem>>) attributes {dimension_semantics = [], scalar_prefetch = 0 : i64, scratch_operands = 1 : i64, tpu.core_type = #tpu.core_type<tc>} {
    %get3A = arith.constant 0 : index
    %get3A_0 = arith.constant 0 : index
    %get3A_1 = arith.constant 0 : index
    %get3A_2 = vector.load %arg0[%get3A, %get3A_0, %get3A_1] : memref<32x32x128xi32, #tpu.memory_space<vmem>>, vector<32x32x128xi32>
    %reshape3A = vector.shape_cast %get3A_2 : vector<32x32x128xi32> to vector<32x4096xi32>
    %ge3A = arith.constant 0 : i32
    %ge3A_3 = vector.broadcast %ge3A : i32 to vector<32x4096xi32>
    %ge3A_4 = arith.cmpi sge, %reshape3A, %ge3A_3 : vector<32x4096xi32>
    %convert_element_type3A = arith.extui %ge3A_4 : vector<32x4096xi1> to vector<32x4096xi32>
    %reduce_sum3A = arith.constant dense<0> : vector<32xi32>
    %reduce_sum3A_5 = vector.multi_reduction <add>, %convert_element_type3A, %reduce_sum3A [1] : vector<32x4096xi32> to vector<32xi32>
    %broadcast_in_dim3A = vector.shape_cast %reduce_sum3A_5 : vector<32xi32> to vector<32x1xi32>
    %ge3A_6 = arith.constant 128 : i32
    %ge3A_7 = vector.broadcast %ge3A_6 : i32 to vector<32x1xi32>
    %ge3A_8 = arith.cmpi sge, %broadcast_in_dim3A, %ge3A_7 : vector<32x1xi32>
    %jit3A = arith.constant 0 : i32
    %jit3A_9 = arith.constant -2147483648 : i32
    %broadcast_in_dim3A_10 = vector.broadcast %jit3A : i32 to vector<32x1xi32>
    %broadcast_in_dim3A_11 = vector.broadcast %jit3A_9 : i32 to vector<32x1xi32>
    %select_n3A = arith.select %ge3A_8, %broadcast_in_dim3A_10, %broadcast_in_dim3A_11 : vector<32x1xi1>, vector<32x1xi32>
    %scan3A = arith.constant 0 : i32
    %scan3A_12 = arith.constant 31 : i32
    %scan3A_13 = arith.addi %scan3A, %scan3A_12 : i32
    %scan3A_14 = arith.constant 1 : i32
    %scan3A_15 = scf.for %scan3A_81 = %scan3A to %scan3A_13 step %scan3A_14 iter_args(%scan3A_82 = %select_n3A) -> (vector<32x1xi32>)  : i32 {
      %sub3A_83 = arith.constant 30 : i32
      %sub3A_84 = arith.subi %sub3A_83, %scan3A_81 : i32
      %shift_left3A = arith.constant 1 : i32
      %shift_left3A_85 = arith.shli %shift_left3A, %sub3A_84 : i32
      %or3A_86 = vector.broadcast %shift_left3A_85 : i32 to vector<32x1xi32>
      %or3A_87 = arith.ori %scan3A_82, %or3A_86 : vector<32x1xi32>
      %ge3A_88 = vector.broadcast %or3A_87 : vector<32x1xi32> to vector<32x4096xi32>
      %ge3A_89 = arith.cmpi sge, %reshape3A, %ge3A_88 : vector<32x4096xi32>
      %convert_element_type3A_90 = arith.extui %ge3A_89 : vector<32x4096xi1> to vector<32x4096xi32>
      %reduce_sum3A_91 = arith.constant dense<0> : vector<32xi32>
      %reduce_sum3A_92 = vector.multi_reduction <add>, %convert_element_type3A_90, %reduce_sum3A_91 [1] : vector<32x4096xi32> to vector<32xi32>
      %broadcast_in_dim3A_93 = vector.shape_cast %reduce_sum3A_92 : vector<32xi32> to vector<32x1xi32>
      %ge3A_94 = arith.constant 128 : i32
      %ge3A_95 = vector.broadcast %ge3A_94 : i32 to vector<32x1xi32>
      %ge3A_96 = arith.cmpi sge, %broadcast_in_dim3A_93, %ge3A_95 : vector<32x1xi32>
      %select_n3A_97 = arith.select %ge3A_96, %or3A_87, %scan3A_82 : vector<32x1xi1>, vector<32x1xi32>
      scf.yield %select_n3A_97 : vector<32x1xi32>
    }
    %scan3A_16 = arith.constant 31 : i32
    %broadcast_in_dim3A_17 = vector.shape_cast %scan3A_15 : vector<32x1xi32> to vector<32x1x1xi32>
    %gt3A = vector.broadcast %broadcast_in_dim3A_17 : vector<32x1x1xi32> to vector<32x32x128xi32>
    %gt3A_18 = arith.cmpi sgt, %get3A_2, %gt3A : vector<32x32x128xi32>
    %eq3A = vector.broadcast %broadcast_in_dim3A_17 : vector<32x1x1xi32> to vector<32x32x128xi32>
    %eq3A_19 = arith.cmpi eq, %get3A_2, %eq3A : vector<32x32x128xi32>
    %convert_element_type3A_20 = arith.extui %gt3A_18 : vector<32x32x128xi1> to vector<32x32x128xi32>
    %convert_element_type3A_21 = arith.sitofp %convert_element_type3A_20 : vector<32x32x128xi32> to vector<32x32x128xf32>
    %convert_element_type3A_22 = arith.extui %eq3A_19 : vector<32x32x128xi1> to vector<32x32x128xi32>
    %convert_element_type3A_23 = arith.sitofp %convert_element_type3A_22 : vector<32x32x128xi32> to vector<32x32x128xf32>
    %iota3A = tpu.iota {dimensions = array<i32: 0>} : vector<128x128xi32>
    %iota3A_24 = tpu.iota {dimensions = array<i32: 1>} : vector<128x128xi32>
    %lt3A = arith.cmpi slt, %iota3A, %iota3A_24 : vector<128x128xi32>
    %convert_element_type3A_25 = arith.extui %lt3A : vector<128x128xi1> to vector<128x128xi32>
    %convert_element_type3A_26 = arith.sitofp %convert_element_type3A_25 : vector<128x128xi32> to vector<128x128xf32>
    %iota3A_27 = tpu.iota {dimensions = array<i32: 0>} : vector<32x32xi32>
    %iota3A_28 = tpu.iota {dimensions = array<i32: 1>} : vector<32x32xi32>
    %lt3A_29 = arith.cmpi slt, %iota3A_27, %iota3A_28 : vector<32x32xi32>
    %convert_element_type3A_30 = arith.extui %lt3A_29 : vector<32x32xi1> to vector<32x32xi32>
    %convert_element_type3A_31 = arith.sitofp %convert_element_type3A_30 : vector<32x32xi32> to vector<32x32xf32>
    %reduce_sum3A_32 = arith.constant dense<0.000000e+00> : vector<32x32xf32>
    %reduce_sum3A_33 = vector.multi_reduction <add>, %convert_element_type3A_21, %reduce_sum3A_32 [2] : vector<32x32x128xf32> to vector<32x32xf32>
    %reduce_sum3A_34 = arith.constant dense<0.000000e+00> : vector<32xf32>
    %reduce_sum3A_35 = vector.multi_reduction <add>, %reduce_sum3A_33, %reduce_sum3A_34 [1] : vector<32x32xf32> to vector<32xf32>
    %broadcast_in_dim3A_36 = vector.shape_cast %reduce_sum3A_35 : vector<32xf32> to vector<32x1x1xf32>
    %sub3A = arith.constant 1.280000e+02 : f32
    %sub3A_37 = vector.broadcast %sub3A : f32 to vector<32x1x1xf32>
    %sub3A_38 = arith.subf %sub3A_37, %broadcast_in_dim3A_36 : vector<32x1x1xf32>
    %reshape3A_39 = vector.shape_cast %convert_element_type3A_23 : vector<32x32x128xf32> to vector<1024x128xf32>
    %dot_general3A = arith.constant dense<0.000000e+00> : vector<1024x128xf32>
    %dot_general3A_40 = tpu.matmul %reshape3A_39, %convert_element_type3A_26, %dot_general3A {dimension_numbers = #tpu.dot_dimension_numbers<[1], [0], [0], [1], [0, 0, 1, 1], [], []>, transpose_lhs_hint = false} : vector<1024x128xf32>, vector<128x128xf32>, vector<1024x128xf32> -> vector<1024x128xf32>
    %reduce_sum3A_41 = arith.constant dense<0.000000e+00> : vector<32x32xf32>
    %reduce_sum3A_42 = vector.multi_reduction <add>, %convert_element_type3A_23, %reduce_sum3A_41 [2] : vector<32x32x128xf32> to vector<32x32xf32>
    %dot_general3A_43 = arith.constant dense<0.000000e+00> : vector<32x32xf32>
    %dot_general3A_44 = tpu.matmul %reduce_sum3A_42, %convert_element_type3A_31, %dot_general3A_43 {dimension_numbers = #tpu.dot_dimension_numbers<[1], [0], [0], [1], [0, 0, 1, 1], [], []>, transpose_lhs_hint = false} : vector<32x32xf32>, vector<32x32xf32>, vector<32x32xf32> -> vector<32x32xf32>
    %reshape3A_45 = vector.shape_cast %dot_general3A_40 : vector<1024x128xf32> to vector<32x32x128xf32>
    %broadcast_in_dim3A_46 = vector.shape_cast %dot_general3A_44 : vector<32x32xf32> to vector<32x32x1xf32>
    %add3A = vector.broadcast %broadcast_in_dim3A_46 : vector<32x32x1xf32> to vector<32x32x128xf32>
    %add3A_47 = arith.addf %reshape3A_45, %add3A : vector<32x32x128xf32>
    %lt3A_48 = vector.broadcast %sub3A_38 : vector<32x1x1xf32> to vector<32x32x128xf32>
    %lt3A_49 = arith.cmpf olt, %add3A_47, %lt3A_48 : vector<32x32x128xf32>
    %and3A = arith.andi %eq3A_19, %lt3A_49 : vector<32x32x128xi1>
    %or3A = arith.ori %gt3A_18, %and3A : vector<32x32x128xi1>
    %convert_element_type3A_50 = arith.extui %or3A : vector<32x32x128xi1> to vector<32x32x128xi32>
    %convert_element_type3A_51 = arith.sitofp %convert_element_type3A_50 : vector<32x32x128xi32> to vector<32x32x128xf32>
    %reshape3A_52 = vector.shape_cast %convert_element_type3A_51 : vector<32x32x128xf32> to vector<1024x128xf32>
    %dot_general3A_53 = arith.constant dense<0.000000e+00> : vector<1024x128xf32>
    %dot_general3A_54 = tpu.matmul %reshape3A_52, %convert_element_type3A_26, %dot_general3A_53 {dimension_numbers = #tpu.dot_dimension_numbers<[1], [0], [0], [1], [0, 0, 1, 1], [], []>, transpose_lhs_hint = false} : vector<1024x128xf32>, vector<128x128xf32>, vector<1024x128xf32> -> vector<1024x128xf32>
    %reduce_sum3A_55 = arith.constant dense<0.000000e+00> : vector<32x32xf32>
    %reduce_sum3A_56 = vector.multi_reduction <add>, %convert_element_type3A_51, %reduce_sum3A_55 [2] : vector<32x32x128xf32> to vector<32x32xf32>
    %dot_general3A_57 = arith.constant dense<0.000000e+00> : vector<32x32xf32>
    %dot_general3A_58 = tpu.matmul %reduce_sum3A_56, %convert_element_type3A_31, %dot_general3A_57 {dimension_numbers = #tpu.dot_dimension_numbers<[1], [0], [0], [1], [0, 0, 1, 1], [], []>, transpose_lhs_hint = false} : vector<32x32xf32>, vector<32x32xf32>, vector<32x32xf32> -> vector<32x32xf32>
    %reshape3A_59 = vector.shape_cast %dot_general3A_54 : vector<1024x128xf32> to vector<32x32x128xf32>
    %broadcast_in_dim3A_60 = vector.shape_cast %dot_general3A_58 : vector<32x32xf32> to vector<32x32x1xf32>
    %add3A_61 = vector.broadcast %broadcast_in_dim3A_60 : vector<32x32x1xf32> to vector<32x32x128xf32>
    %add3A_62 = arith.addf %reshape3A_59, %add3A_61 : vector<32x32x128xf32>
    %jit3A_63 = arith.constant 1.280000e+02 : f32
    %broadcast_in_dim3A_64 = vector.broadcast %jit3A_63 : f32 to vector<32x32x128xf32>
    %select_n3A_65 = arith.select %or3A, %add3A_62, %broadcast_in_dim3A_64 : vector<32x32x128xi1>, vector<32x32x128xf32>
    %convert_element_type3A_66 = arith.fptosi %select_n3A_65 : vector<32x32x128xf32> to vector<32x32x128xi32>
    %swap3A = arith.constant 0 : index
    %swap3A_67 = arith.constant 0 : index
    %swap3A_68 = arith.constant 0 : index
    %swap3A_69 = vector.load %arg3[%swap3A, %swap3A_67, %swap3A_68] : memref<32x32x128xi32, #tpu.memory_space<vmem>>, vector<32x32x128xi32>
    tpu.vector_store %arg3[%swap3A, %swap3A_67, %swap3A_68], %convert_element_type3A_66 {strides = array<i32>} : memref<32x32x128xi32, #tpu.memory_space<vmem>>, vector<32x32x128xi32>,
    %iota3A_70 = tpu.iota {dimensions = array<i32: 2>} : vector<32x128x128xi32>
    %iota3A_71 = tpu.iota {dimensions = array<i32: 0>} : vector<32x128xi32>
    %mul3A = arith.constant 128 : i32
    %mul3A_72 = vector.broadcast %mul3A : i32 to vector<32x128xi32>
    %mul3A_73 = arith.muli %iota3A_71, %mul3A_72 : vector<32x128xi32>
    %iota3A_74 = tpu.iota {dimensions = array<i32: 1>} : vector<32x128xi32>
    %add3A_75 = arith.addi %mul3A_73, %iota3A_74 : vector<32x128xi32>
    %scan3A_76 = arith.constant 0 : i32
    %scan3A_77 = arith.constant 32 : i32
    %scan3A_78 = arith.addi %scan3A_76, %scan3A_77 : i32
    %scan3A_79 = arith.constant 1 : i32
    scf.for %scan3A_81 = %scan3A_76 to %scan3A_78 step %scan3A_79  : i32 {
      %get3A_82 = arith.index_cast %scan3A_81 : i32 to index
      %get3A_83 = arith.constant 0 : index
      %get3A_84 = arith.constant 0 : index
      %get3A_85 = vector.load %arg3[%get3A_82, %get3A_83, %get3A_84] : memref<32x32x128xi32, #tpu.memory_space<vmem>>, vector<1x32x128xi32>
      %squeeze3A = vector.shape_cast %get3A_85 : vector<1x32x128xi32> to vector<32x128xi32>
      %broadcast_in_dim3A_86 = vector.shape_cast %squeeze3A : vector<32x128xi32> to vector<32x128x1xi32>
      %eq3A_87 = vector.broadcast %broadcast_in_dim3A_86 : vector<32x128x1xi32> to vector<32x128x128xi32>
      %eq3A_88 = arith.cmpi eq, %eq3A_87, %iota3A_70 : vector<32x128x128xi32>
      %convert_element_type3A_89 = arith.extui %eq3A_88 : vector<32x128x128xi1> to vector<32x128x128xi32>
      %broadcast_in_dim3A_90 = vector.shape_cast %add3A_75 : vector<32x128xi32> to vector<32x128x1xi32>
      %mul3A_91 = vector.broadcast %broadcast_in_dim3A_90 : vector<32x128x1xi32> to vector<32x128x128xi32>
      %mul3A_92 = arith.muli %convert_element_type3A_89, %mul3A_91 : vector<32x128x128xi32>
      %reduce_sum3A_93 = arith.constant dense<0> : vector<128x128xi32>
      %reduce_sum3A_94 = vector.multi_reduction <add>, %mul3A_92, %reduce_sum3A_93 [0] : vector<32x128x128xi32> to vector<128x128xi32>
      %reduce_sum3A_95 = arith.constant dense<0> : vector<128xi32>
      %reduce_sum3A_96 = vector.multi_reduction <add>, %reduce_sum3A_94, %reduce_sum3A_95 [0] : vector<128x128xi32> to vector<128xi32>
      %reshape3A_97 = vector.shape_cast %reduce_sum3A_96 : vector<128xi32> to vector<1x128xi32>
      %swap3A_98 = arith.index_cast %scan3A_81 : i32 to index
      %swap3A_99 = arith.constant 0 : index
      %swap3A_100 = vector.load %arg1[%swap3A_98, %swap3A_99] : memref<32x128xi32, #tpu.memory_space<vmem>>, vector<1x128xi32>
      tpu.vector_store %arg1[%swap3A_98, %swap3A_99], %reshape3A_97 {strides = array<i32>} : memref<32x128xi32, #tpu.memory_space<vmem>>, vector<1x128xi32>,
      %mul3A_101 = arith.constant 4096 : i32
      %mul3A_102 = arith.muli %mul3A_101, %scan3A_81 : i32
      %add3A_103 = vector.broadcast %mul3A_102 : i32 to vector<128xi32>
      %add3A_104 = arith.addi %reduce_sum3A_96, %add3A_103 : vector<128xi32>
      %shift_right_arithmetic3A = arith.constant 1 : i32
      %shift_right_arithmetic3A_105 = vector.broadcast %shift_right_arithmetic3A : i32 to vector<128xi32>
      %shift_right_arithmetic3A_106 = arith.shrsi %add3A_104, %shift_right_arithmetic3A_105 : vector<128xi32>
      %reshape3A_107 = vector.shape_cast %shift_right_arithmetic3A_106 : vector<128xi32> to vector<1x128xi32>
      %swap3A_108 = arith.index_cast %scan3A_81 : i32 to index
      %swap3A_109 = arith.constant 0 : index
      %swap3A_110 = vector.load %arg2[%swap3A_108, %swap3A_109] : memref<32x128xi32, #tpu.memory_space<vmem>>, vector<1x128xi32>
      tpu.vector_store %arg2[%swap3A_108, %swap3A_109], %reshape3A_107 {strides = array<i32>} : memref<32x128xi32, #tpu.memory_space<vmem>>, vector<1x128xi32>,
    }
    %scan3A_80 = arith.constant 32 : i32
    return
  }
}

</mosaic_0001>

<sc_bundles>
// kernel: kernel.6.cloned.1.call-start
scs
__scs_entry_jumppad:
0x0: {  	(pc) =	sbr.rel $0x88, $3  }
0x1: {  	(tag) =	ssettag $0x0;
	lr =	simm.s32 $0x1  }
0x2: {  	[smem:$0x3F9E] =	sst lr;
	_ =	strace $0xD0000000  }
0x3: {  	_ = 	snop  }
0x4: {  	_ = 	snop  }
0x5: {  	_ = 	snop  }
0x6: {  	_ = 	snop  }
0x7: {  	_ = 	snop  }
__scs_overlays_trampoline_lowered:
0x8: {  	[smem:$0x3FAD] =	sst s0  }
0x9: {  	[smem:$0x3FAE] =	sst s1  }
0xa: {  	[smem:$0x3FAF] =	sst s2  }
0xb: {  	[smem:$0x3FB0] =	sst s3  }
0xc: {  	[smem:$0x3FB1] =	sst s4  }
0xd: {  	[smem:$0x3FB2] =	sst s5  }
0xe: {  	[smem:$0x3FB3] =	sst s6  }
0xf: {  	[smem:$0x3FB4] =	sst s7  }
0x10: {  	[smem:$0x3FB5] =	sst s8  }
0x11: {  	[smem:$0x3FB6] =	sst s9;
	s0 =	simm.s32 @!p0 $0x0  }
0x12: {  	s1 =	sld [smem:$0x3F9C];
	s0 =	simm.s32 @p0 $0x1  }
0x13: {  	[smem:$0x3FB7] =	sst s0;
	s0 =	simm.s32 @!p1 $0x0  }
0x14: {  	s2 =	sld [smem:$0x3F9B];
	s0 =	simm.s32 @p1 $0x1  }
0x15: {  	[smem:$0x3FB8] =	sst s0;
	s0 =	simm.s32 @!p2 $0x0  }
0x16: {  	s3 =	sld [smem:$0x3FDB];
	s0 =	simm.s32 @p2 $0x1  }
0x17: {  	s4 =	simm.s32 $0x1BF5;
	[smem:$0x3FBA] =	sst s0  }
0x18: {  	s0 =	sld [smem:$0x3F9D];
	_ =	swait.ge [sflag:s4], $0x0  }
0x19: {  	s7 =	sld [smem:$0x3F9E]  }
0x1a: {  	s8 =	sadd.s32 $0xFFFFE003, lr  }
0x1b: {  	s9 =	sadd.s32 $0xFFFFFEF7, lr;
	s5 =	simm.s32 $0xFFFFFFFF;
	p2 =	slt.u32 s8, $0xFFFFF086  }
0x1c: {  	p1 =	slt.u32 s9, $0xF7A;
	s5 =	simm.s32 @!p2 $0x0  }
0x1d: {  	s5 =	simm.s32 @p1 $0x1;
	p0 =	seq.s32 s7, s2  }
0x1e: {  	s7 =	smul.u32 @!p0 $0xF7A, s2;
	p2 =	seq.s32 @!p0 s5, $0x0  }
0x1f: {  	s9 =	smul.u32 $0xF7A, s1;
	s8 =	simm.s32 @!p0 $0x1BF5;
	p2 =	por !p2, p0  }
0x20: {  	[sflag:s8] =	ssyncset.s32 @!p0 $0xFFFFF086;
	s6 =	sadd.s32 @!p0 s3, s7;
	s7 =	simm.s32 @!p0 $0x108  }
0x21: {  	s3 =	sadd.s32 s3, s9;
	s6 =	sadd.s32 @!p0 $0x88, s6;
	s7 =	simm.s32 @p2 $0x1082  }
0x22: {  	[simem:s7], [sflag:s8] =	dma.local @!p0 [hbm:s6], $0xF7A  }
0x23: {  	s9 =	sor.u32 $0xD0000000, s2;
	s6 =	simm.s32 $0x108;
	_ =	swait.ge @!p0 [sflag:s8], $0x0  }
0x24: {  	s3 =	sadd.s32 $0x88, s3;
	s6 =	simm.s32 @!p1 $0x1082;
	[sflag:s4] =	ssyncset.s32 $0xFFFFF086  }
0x25: {  	[simem:s6], [sflag:s4] =	dma.local [hbm:s3], $0xF7A  }
0x26: {  	[smem:$0x3F9E] =	sst s1;
	(tag) =	ssettag s2;
	_ =	strace s9  }
0x27: {  	s1 =	sld [smem:$0x3FAE]  }
0x28: {  	s2 =	sld [smem:$0x3FAF]  }
0x29: {  	s4 =	sld [smem:$0x3FB1]  }
0x2a: {  	p0 =	seq.s32 s5, $0x0;
	s5 =	sld [smem:$0x3FB2]  }
0x2b: {  	s6 =	sld [smem:$0x3FB3]  }
0x2c: {  	s7 =	sld [smem:$0x3FB4]  }
0x2d: {  	s3 =	simm.s32 $0x108;
	s8 =	sld [smem:$0x3FB5]  }
0x2e: {  	s3 =	simm.s32 @!p0 $0x1082;
	s9 =	sld [smem:$0x3FB6]  }
0x2f: {  	lr =	sadd.s32 s0, s3;
	s0 =	sld [smem:$0x3FAD]  }
0x30: {  	s3 =	sld [smem:$0x3FB0]  }
0x31: {  	[smem:$0x3FB9] =	sst s10  }
0x32: {  	s10 =	sld [smem:$0x3FB7];
	_ =	sdelay $0x3  }
0x33: {  	p0 =	seq.s32 s10, $0x1;
	s10 =	sld [smem:$0x3FB9];
	_ =	sdelay $0x3  }
0x34: {  	[smem:$0x3FB9] =	sst s10  }
0x35: {  	s10 =	sld [smem:$0x3FB8];
	_ =	sdelay $0x3  }
0x36: {  	p1 =	seq.s32 s10, $0x1;
	s10 =	sld [smem:$0x3FB9];
	_ =	sdelay $0x3  }
0x37: {  	[smem:$0x3FB9] =	sst s10  }
0x38: {  	s10 =	sld [smem:$0x3FBA]  }
0x39: {  	_ = 	snop;
	(pc) =	sbr.ind lr, $3  }
0x3a: {  	_ = 	snop  }
0x3b: {  	_ = 	snop  }
0x3c: {  	p2 =	seq.s32 s10, $0x1;
	s10 =	sld [smem:$0x3FB9]  }
0x3d: {  	_ =	shalt  }
0x3e: {  	_ =	shalt  }
0x3f: {  	_ =	shalt  }
0x40: {  	_ =	shalt  }
0x41: {  	_ =	shalt  }
0x42: {  	_ =	shalt  }
0x43: {  	_ =	shalt  }
0x44: {  	_ =	shalt  }
0x45: {  	_ =	shalt  }
0x46: {  	_ =	shalt  }
0x47: {  	_ =	shalt  }
0x48: {  	_ =	shalt  }
0x49: {  	_ =	shalt  }
0x4a: {  	_ =	shalt  }
0x4b: {  	_ =	shalt  }
0x4c: {  	_ =	shalt  }
0x4d: {  	_ =	shalt  }
0x4e: {  	_ =	shalt  }
0x4f: {  	_ =	shalt  }
0x50: {  	_ =	shalt  }
0x51: {  	_ =	shalt  }
0x52: {  	_ =	shalt  }
0x53: {  	_ =	shalt  }
0x54: {  	_ =	shalt  }
0x55: {  	_ =	shalt  }
0x56: {  	_ =	shalt  }
0x57: {  	_ =	shalt  }
0x58: {  	_ =	shalt  }
0x59: {  	_ =	shalt  }
0x5a: {  	_ =	shalt  }
0x5b: {  	_ =	shalt  }
0x5c: {  	_ =	shalt  }
0x5d: {  	_ =	shalt  }
0x5e: {  	_ =	shalt  }
0x5f: {  	_ =	shalt  }
0x60: {  	_ =	shalt  }
0x61: {  	_ =	shalt  }
0x62: {  	_ =	shalt  }
0x63: {  	_ =	shalt  }
0x64: {  	_ =	shalt  }
0x65: {  	_ =	shalt  }
0x66: {  	_ =	shalt  }
0x67: {  	_ =	shalt  }
0x68: {  	_ =	shalt  }
0x69: {  	_ =	shalt  }
0x6a: {  	_ =	shalt  }
0x6b: {  	_ =	shalt  }
0x6c: {  	_ =	shalt  }
0x6d: {  	_ =	shalt  }
0x6e: {  	_ =	shalt  }
0x6f: {  	_ =	shalt  }
0x70: {  	_ =	shalt  }
0x71: {  	_ =	shalt  }
0x72: {  	_ =	shalt  }
0x73: {  	_ =	shalt  }
0x74: {  	_ =	shalt  }
0x75: {  	_ =	shalt  }
0x76: {  	_ =	shalt  }
0x77: {  	_ =	shalt  }
0x78: {  	_ =	shalt  }
0x79: {  	_ =	shalt  }
0x7a: {  	_ =	shalt  }
0x7b: {  	_ =	shalt  }
0x7c: {  	_ =	shalt  }
0x7d: {  	_ =	shalt  }
0x7e: {  	_ =	shalt  }
0x7f: {  	_ =	shalt  }
0x80: {  	_ =	shalt  }
0x81: {  	_ =	shalt  }
0x82: {  	_ =	shalt  }
0x83: {  	_ =	shalt  }
0x84: {  	_ =	shalt  }
0x85: {  	_ =	shalt  }
0x86: {  	_ =	shalt  }
0x87: {  	_ =	shalt  }
.Lfunc_end0:
.L_simem_size_0:
called_computation_lowered:
.L_overlay_start_0:
0x88: {  	s2 =	sld [smem:$0x3FD9]  }
0x89: {  	s3 =	sld [smem:$0x3FFE];
	_ =	sdelay $0x1  }
0x8a: {  	s1 =	srdreg.scid  }
0x8b: {  	s0 =	sand.u32 $0x1, s1  }
0x8c: {  	s17 =	sshll.u32 s0, $0xA;
	s2 =	sadd.s32 s3, s2  }
0x8d: {  	s2 =	sadd.s32 s2, s17  }
0x8e: {  	[smem:$0x3FC5] =	sst s2  }
0x8f: {  	_ = 	snop  }
0x90: {  	s2 =	sld [smem:$0x3FD0];
	(tm) =	ssettm $0x1  }
0x91: {  	s18 =	sld [smem:$0x3FFB];
	_ =	sdelay $0x3  }
0x92: {  	_ =	strace s18  }
0x93: {  	s3 =	sld [smem:$0x3FFC];
	_ =	sdelay $0x3  }
0x94: {  	_ =	strace s3  }
0x95: {  	s3 =	sld [smem:$0x3FFD];
	_ =	sdelay $0x3  }
0x96: {  	_ =	strace s3  }
0x97: {  	_ =	strace $0x8FFFFFFF  }
0x98: {  	s19 =	sld [smem:$0x3FDB];
	_ =	sdelay $0x1  }
0x99: {  	s4 =	simm.s32 $_scs_section_size  }
0x9a: {  	s5 =	simm.s32 $_size__tile_overlayer_lowered;
	s6 =	simm.s32 $_tile_overlayer_lowered  }
0x9b: {  	s22 =	simm.s32 $0x1BFF;
	s21 =	sshll.u32 s6, $0x1;
	s3 =	sadd.s32 s4, s19  }
0x9c: {  	s7 =	simm.s32 $0x0;
	s20 =	sshll.u32 s5, $0x1;
	s5 =	sadd.s32 s21, s3  }
0x9d: {  	[timem:s7], [sflag:s22] =	dma.local [hbm:s5], s20  }
0x9e: {  	_ =	swait.ge [sflag:s22], s20  }
0x9f: {  	s4 =	ssub.s32 $0x0, s20;
	[sflag:s22] =	ssyncset.done $0x0  }
0xa0: {  	[sflag:s22] =	ssyncadd.s32 s4;
	_ =	sdelay $0x1  }
0xa1: {  	s23 =	simm.s32 $0x1B8B  }
0xa2: {  	_ =	swait.ge [sflag:s23], $0x1  }
0xa3: {  	[sflag:s23] =	ssyncset.done $0x0  }
0xa4: {  	s25 =	simm.s32 $0x1B8E;
	s24 =	sld [smem:$0x3FFE];
	[sflag:s23] =	ssyncadd.s32 $0xFFFFFFFF  }
0xa5: {  	s26 =	simm.s32 $execute0_lowered;
	[smem:$0x3FD2] =	sst s25  }
0xa6: {  	s5 =	sshll.u32 s26, $0x1;
	_ =	strace $0x80000046;
	[dreg:$0x1] =	wrdreg $0xFFFFFFFF  }
0xa7: {  	s28 =	simm.s32 $_size_execute0_lowered;
	s3 =	sadd.s32 s3, s5;
	[dreg:$0x0] =	wrdreg $0x0  }
0xa8: {  	s5 =	sshll.u32 s28, $0x1;
	[dreg:$0x2] =	wrdreg s3  }
0xa9: {  	[dreg:$0x3] =	wrdreg s5  }
0xaa: {  	[dreg:$0x4] =	wrdreg $0xC0  }
0xab: {  	_ =	task [dreg:s7], $0x5FFFF  }
0xac: {  	[dreg:$0x1] =	wrdreg $0xFFFFFFFF  }
0xad: {  	[dreg:$0x0] =	wrdreg $0x60  }
0xae: {  	[dreg:$0x2] =	wrdreg s24  }
0xaf: {  	[dreg:$0x3] =	wrdreg s2  }
0xb0: {  	[dreg:$0x4] =	wrdreg $0x9  }
0xb1: {  	_ =	task.clear_ibuf [dreg:s7], $0x5FFFF;
	_ =	strace $0x90000046  }
0xb2: {  	s29 =	simm.s32 $0x9;
	_ =	strace $0x80000048  }
0xb3: {  	_ =	swait.ge [sflag:s29], $0x1  }
0xb4: {  	[sflag:s29] =	ssyncadd.s32 $0xFFFFFFFF  }
0xb5: {  	_ =	strace $0x90000048  }
0xb6: {  	_ =	sfence  }
0xb7: {  	s30 =	sld [smem:$0x0];
	_ =	sdelay $0x2  }
0xb8: {  	s31 =	sshll.u32 s1, $0xD;
	s1 =	sshrl.u32 s1, $0x2  }
0xb9: {  	s3 =	sand.u32 $0x4000, s31;
	s1 =	sadd.s32 s1, s30  }
0xba: {  	s0 =	sor.u32 s3, s0;
	s1 =	sshll.u32 s1, $0x11  }
0xbb: {  	s0 =	sor.u32 s1, s0  }
0xbc: {  	s0 =	sadd.s32 $0x8F2B, s0  }
0xbd: {  	[sflag:s0] =	ssyncadd.remote.s32 $0x1  }
0xbe: {  	_ =	sfence.sel $0xFFFF  }
0xbf: {  	[dreg:$0x0] =	wrdreg $0xFFFFFFFF;
	(pc) =	sbr.abs _section_cstart, $3  }
0xc0: {  	[dreg:$0x1] =	wrdreg $0xFFFFFFFF  }
0xc1: {  	_ =	task.clear_ibuf [dreg:s7], $0x2FFFF;
	_ =	strace $0x9FFFFFFF  }
0xc2: {  	(tm) =	ssettm $0x7FFFFFFF  }
0xc3: {  	_ =	shalt  }
tec
execute0_lowered:
.L_overlay_start_1:
0x0: {  	(tag) =	ssettag $0x1  }
0x1: {  	s1 =	srdreg.scid;
	s0 =	stileid.u32  }
0x2: {  	s8 =	rddreg [dreg:$0x0];
	s6 =	sand.u32 $0x1, s1;
	s30 =	sshll.u32 s0, $0x1  }
0x3: {  	s2 =	rddreg [dreg:$0x1];
	s3 =	simm.s32 $0x0;
	s9 =	sor.u32 s6, s30  }
0x4: {  	s7 =	simm.s32 $0x1;
	[smem:$0x7FF] =	sst s3;
	s4 =	sshll.u32 s9, $0x4  }
0x5: {  	s1 =	rddreg [dreg:$0x2];
	_ =	strace $0x80000047;
	s4 =	sadd.s32 s4, s8  }
0x6: {  	s10 =	ssub.s32 $0x2, s6;
	s5 =	sadd.s32 $0xC00, s4;
	s4 =	simm.s32 $0x2  }
0x7: {  	[tilespmem:s3], [sflag:$0x2] =	stream.linear.gather [hbm4b:s5+s3], $0x80, $0x38;
	[tilespmem:$0x4080] =	vst v63  }
0x8: {  	s6 =	simm.s32 $0x80;
	s11 =	sshrl.u32 s10, $0x1;
	_ =	swait.ge [sflag:s4], $0x80  }
0x9: {  	s9 =	sshll.u32 s9, $0xB;
	s31 =	ssub.s32 s10, s11;
	[sflag:s4] =	ssyncset.done $0x0  }
0xa: {  	s8 =	sadd.s32 s9, s8;
	s9 =	smax.u32 s31, $0x1;
	[sflag:s4] =	ssyncadd.s32 $0xFFFFFF80  }
0xb: {  	[tilespmem:s6], [sflag:$0x1] =	stream.indirect.gather [hbm4b:s2+s6], $0x80, s3, s6, $0xb8;
	[tilespmem:$0x4080] =	vst v63  }
0xc: {  	p0 =	sne.s32 s9, $0x1;
	_ =	swait.ge [sflag:s7], $0x4000  }
.Ltmp0:
0xd: {  	[sflag:s7] =	ssyncset.done $0x0;
	(pc) =	sbr.rel @!p0 .LBB2_2-.Ltmp0, $4  }
0xe: {  	s8 =	sadd.s32 $0xE00, s8;
	[sflag:s7] =	ssyncadd.s32 $0xFFFFC000  }
0xf: {  	[hbm4b:s8+s3] =	stream.linear.scatter [tilespmem:s6], [sflag:$0x2], $0x4000, $0x38;
	[tilespmem:$0x4080] =	vst v63  }
0x10: {  	_ =	swait.ge [sflag:s4], $0x4000  }
0x11: {  	s9 =	sadd.s32 $0xFFFFFFFF, s9;
	[sflag:s4] =	ssyncset.done $0x0  }
.LBB2_1:
0x12: {  	p0 =	sne.s32 s9, $0x1;
	s9 =	sadd.s32 $0xFFFFFFFF, s9;
	[sflag:s4] =	ssyncadd.s32 $0xFFFFC000  }
0x13: {  	[tilespmem:s3], [sflag:$0x2] =	stream.linear.gather [hbm4b:s5+s3], $0x80, $0x38;
	[tilespmem:$0x4080] =	vst v63  }
0x14: {  	_ =	swait.ge [sflag:s4], $0x80  }
0x15: {  	[sflag:s4] =	ssyncset.done $0x0  }
0x16: {  	[sflag:s4] =	ssyncadd.s32 $0xFFFFFF80  }
0x17: {  	[tilespmem:s6], [sflag:$0x1] =	stream.indirect.gather [hbm4b:s2+s6], $0x80, s3, s6, $0xb8;
	[tilespmem:$0x4080] =	vst v63  }
0x18: {  	_ =	swait.ge [sflag:s7], $0x4000  }
.Ltmp1:
0x19: {  	[sflag:s7] =	ssyncset.done $0x0;
	(pc) =	sbr.rel @p0 .LBB2_1-.Ltmp1, $4  }
0x1a: {  	[sflag:s7] =	ssyncadd.s32 $0xFFFFC000  }
0x1b: {  	[hbm4b:s8+s3] =	stream.linear.scatter [tilespmem:s6], [sflag:$0x2], $0x4000, $0x38;
	[tilespmem:$0x4080] =	vst v63  }
0x1c: {  	_ =	swait.ge [sflag:s4], $0x4000  }
0x1d: {  	[sflag:s4] =	ssyncset.done $0x0  }
.LBB2_2:
0x1e: {  	[sflag:s4] =	ssyncadd.s32 $0xFFFFC000  }
0x1f: {  	_ =	sfence.sel $0x180000  }
0x20: {  	[bflag:$0x0] =	sbarrier.arrive $0xFFFF  }
0x21: {  	p0 =	sne.s32 s0, $0x0;
	_ =	strace $0x90000047  }
0x22: {  	s0 =	sadd.s32 @!p0 $0x100000, s1;
	[bflag:$0x2] =	sbarrier.arrive $0xFFFF  }
0x23: {  	[sflag:s0] =	ssyncadd.tile.s32 @!p0 $0x1;
	_ =	shalt  }
.Lfunc_end2:
_tile_overlayer_lowered:
.L_overlay_start_2:
0x24: {  	(tag) =	ssettag $0x2  }
0x25: {  	s0 =	rddreg [dreg:$0x0];
	s2 =	stileid.u32  }
0x26: {  	s1 =	rddreg [dreg:$0x1];
	p0 =	sne.s32 s2, $0x0  }
0x27: {  	s3 =	rddreg [dreg:$0x2];
	[bflag:$0x3] =	sbarrier.arrive $0xFFFF;
	s2 =	simm.s32 @!p0 $0x1C02  }
0x28: {  	[timem:s3], [sflag:s2] =	dma.local @!p0 [hbm:s0], s1  }
0x29: {  	s0 =	simm.s32 @!p0 $0x2  }
0x2a: {  	_ =	swait.ge @!p0 [sflag:s0], s1  }
0x2b: {  	s1 =	ssub.s32 @!p0 $0x0, s1;
	[sflag:s0] =	ssyncset.done @!p0 $0x0  }
0x2c: {  	[sflag:s0] =	ssyncadd.s32 @!p0 s1  }
0x2d: {  	[bflag:$0x3] =	sbarrier.arrive $0xFFFF  }
0x2e: {  	_ =	shalt  }

</sc_bundles>
